<compile_context>
chip_gen: v7x
topology: tpu7x:2x2x1
jax: 0.10.2.dev20260603
libtpu: 0.0.44.dev20260713+nightly
codegen_flags: <defaults>
</compile_context>

<pallas_src>
import numpy as np
import jax
import jax.numpy as jnp
from jax import lax
from jax.experimental import pallas as pl
from jax.experimental.pallas import tpu as pltpu
from jax.experimental.pallas import tpu_sc as plsc

_NG = 256
_M = 128
_G = 32
_NW = 32
_N = 50000
_CHUNK = 1568
_BINS = _NG * _M
_LANES = 16
_CHUNKV = _CHUNK // _LANES
_SKIPV = (_NW * _CHUNK - _N) // _LANES // 1
_SKIPV = (_CHUNK - (_N - (_NW - 1) * _CHUNK)) // _LANES
_LAST_BASE = _N - _CHUNK

assert (_N - (_NW - 1) * _CHUNK) % _LANES == 0
assert _LAST_BASE % 8 == 0


def _contrastive_T(n_gen: int) -> np.ndarray:
    cols = n_gen * (n_gen - 1) // 2
    mt = np.zeros((cols, n_gen), dtype=np.float32)
    k = 0
    for i in range(n_gen):
        for j in range(i + 1, n_gen):
            mt[k, i] = 1.0
            mt[k, j] = -1.0
            k += 1
    return mt


_CMAT_T = _contrastive_T(_G)
_CMAT = np.ascontiguousarray(_CMAT_T.T)


def _hist_body(x_hbm, b_hbm, out_hbm, xv, bv, hv, xsem, bsem):
    wid = lax.axis_index("s") * 2 + lax.axis_index("c")
    is_last = wid == _NW - 1
    base = jnp.where(is_last, _LAST_BASE, wid * _CHUNK)
    xcp = pltpu.make_async_copy(x_hbm.at[pl.ds(base, _CHUNK)], xv, xsem)
    bcp = pltpu.make_async_copy(b_hbm.at[pl.ds(base, _CHUNK)], bv, bsem)
    xcp.start()
    bcp.start()

    zeros = jnp.zeros((_LANES,), jnp.float32)
    n_col = _M // _LANES

    @plsc.parallel_loop(0, _BINS // _LANES, unroll=8)
    def _zero(i):
        hv[i // n_col, pl.ds((i % n_col) * _LANES, _LANES)] = zeros

    xcp.wait()
    bcp.wait()

    ones = jnp.ones((_LANES,), jnp.float32)

    def _acc(i):
        xs = xv[pl.ds(i * _LANES, _LANES)]
        bs = bv[pl.ds(i * _LANES, _LANES)]
        plsc.addupdate_scatter(hv, [bs, xs], ones)

    plsc.parallel_loop(_SKIPV, _CHUNKV, unroll=4)(_acc)

    @pl.when(jnp.logical_not(is_last))
    def _():
        plsc.parallel_loop(0, _SKIPV, unroll=4)(_acc)

    pltpu.sync_copy(hv, out_hbm.at[wid])


def _histogram(x, batch):
    mesh = plsc.VectorSubcoreMesh(
        core_axis_name="c", subcore_axis_name="s", num_cores=2, num_subcores=16
    )
    k = pl.kernel(
        _hist_body,
        out_type=jax.ShapeDtypeStruct((_NW, _NG, _M), jnp.float32),
        mesh=mesh,
        scratch_types=[
            pltpu.VMEM((_CHUNK,), jnp.int32),
            pltpu.VMEM((_CHUNK,), jnp.int32),
            pltpu.VMEM((_NG, _M), jnp.float32),
            pltpu.SemaphoreType.DMA,
            pltpu.SemaphoreType.DMA,
        ],
        compiler_params=pltpu.CompilerParams(needs_layout_passes=False),
    )
    return k(x, batch)


def _dense_body(hp_hbm, prior_ref, em_ref, cmt_ref, cm_ref,
                ghw_ref, ghb_ref, gow_ref, gob_ref, ow_ref, ob_ref,
                out_ref, hp_vmem, hp_sem):
    f32 = jnp.float32
    hi = lax.Precision.HIGHEST

    hp_cp = pltpu.make_async_copy(hp_hbm, hp_vmem, hp_sem)
    hp_cp.start()

    lp = prior_ref[...]
    mx = jnp.max(lp, axis=1, keepdims=True)
    lp = lp - (jnp.log(jnp.sum(jnp.exp(lp - mx), axis=1, keepdims=True)) + mx)

    em = em_ref[...]
    mx = jnp.max(em, axis=2, keepdims=True)
    em = em - (jnp.log(jnp.sum(jnp.exp(em - mx), axis=2, keepdims=True)) + mx)
    t2 = em + lp[:, :, None]
    mx = jnp.max(t2, axis=1, keepdims=True)
    ll_gm = jnp.log(jnp.sum(jnp.exp(t2 - mx), axis=1)) + mx[:, 0, :]
    ll_mg = jnp.transpose(ll_gm)

    hp_cp.wait()
    h = jnp.sum(hp_vmem[...], axis=0)
    cnt_row = jnp.sum(h, axis=0, keepdims=True)

    inv_n = 1.0 / _N
    mean_row = jnp.dot(cnt_row, ll_mg, precision=hi,
                       preferred_element_type=f32) * inv_n
    e2_row = jnp.dot(cnt_row, ll_mg * ll_mg, precision=hi,
                     preferred_element_type=f32) * inv_n
    var_row = e2_row - mean_row * mean_row
    inv_row = lax.rsqrt(var_row + 1e-5)

    bn_mg = (ll_mg - mean_row) * inv_row
    c_tab = jnp.tanh(jnp.dot(bn_mg, cm_ref[...], precision=hi,
                             preferred_element_type=f32))

    cmt_s = cmt_ref[...] * inv_row
    off_col = jnp.sum(cmt_s * mean_row, axis=1, keepdims=True)
    c_tab_t = jnp.tanh(jnp.dot(cmt_s, ll_gm, precision=hi,
                               preferred_element_type=f32) - off_col)

    g1t = jnp.tanh(jnp.dot(ghw_ref[...], c_tab_t, precision=hi,
                           preferred_element_type=f32) + ghb_ref[...])
    gate_row = (jnp.sum(g1t * gow_ref[...], axis=0, keepdims=True)
                + gob_ref[...])

    mask = h > 0.0
    gmax = jnp.max(jnp.where(mask, gate_row, -1e30), axis=1, keepdims=True)
    e = jnp.exp(jnp.minimum(gate_row - gmax, 0.0))
    w = h * e
    denom = jnp.sum(w, axis=1, keepdims=True) + 1e-16
    wn = w / denom

    r = jnp.dot(wn, c_tab, precision=hi, preferred_element_type=f32)
    out_ref[...] = (lax.dot_general(r, ow_ref[...], (((1,), (1,)), ((), ())),
                                    precision=hi,
                                    preferred_element_type=f32) + ob_ref[...])


def kernel(x, edge_index, batch, prior_logits, emission_logits,
           gate_h_w, gate_h_b, gate_out_w, gate_out_b, out_w, out_b):
    del edge_index
    assert x.shape[0] == _N

    hpart = _histogram(x.astype(jnp.int32), batch.astype(jnp.int32))

    out = pl.pallas_call(
        _dense_body,
        out_shape=jax.ShapeDtypeStruct((_NG, 10), jnp.float32),
        in_specs=[pl.BlockSpec(memory_space=pltpu.HBM)] + [pl.BlockSpec()] * 10,
        scratch_shapes=[
            pltpu.VMEM((_NW, _NG, _M), jnp.float32),
            pltpu.SemaphoreType.DMA,
        ],
    )(
        hpart,
        prior_logits.astype(jnp.float32),
        emission_logits.astype(jnp.float32),
        jnp.asarray(_CMAT_T),
        jnp.asarray(_CMAT),
        gate_h_w.astype(jnp.float32),
        gate_h_b.astype(jnp.float32).reshape(128, 1),
        gate_out_w.astype(jnp.float32).reshape(128, 1),
        gate_out_b.astype(jnp.float32).reshape(1, 1),
        out_w.astype(jnp.float32),
        out_b.astype(jnp.float32).reshape(1, 10),
    )
    return out

# --- scband reference (transcript-rebuilt; emitter-appended) ---
"""Pipeline reference for scband-cgmn-53661321396595 (READ-ONLY COPY).

The authoritative reference and input builder live on the scoring server;
editing this copy changes nothing except your own understanding.
"""

import jax, jax.numpy as jnp
import numpy as np

N_GRAPHS = 256


def contrastive_matrix(n_gen):
    cols = n_gen * (n_gen - 1) // 2
    Mx = np.zeros((n_gen, cols), dtype=np.float32)
    k = 0
    for i in range(n_gen):
        for j in range(i + 1, n_gen):
            Mx[i, k] = 1.0
            Mx[j, k] = -1.0
            k += 1
    return jnp.asarray(Mx)


def setup_inputs(seed: int = 0):
    key = jax.random.key(seed)
    ks = jax.random.split(key, 12)
    N = 50000
    E = 1600000
    n_gen = 32
    C = 8
    M = 128
    gate_units = 128
    out_features = 10
    nf = n_gen * (n_gen - 1) // 2
    x = jax.random.randint(ks[0], (N,), 0, M)
    edge_index = jax.random.randint(ks[1], (2, E), 0, N)
    batch = jnp.sort(jax.random.randint(ks[2], (N,), 0, N_GRAPHS))
    prior_logits = jax.random.normal(ks[3], (n_gen, C), dtype=jnp.float32)
    emission_logits = jax.random.normal(ks[4], (n_gen, C, M), dtype=jnp.float32)
    gate_h_w = jax.random.normal(ks[5], (gate_units, nf), dtype=jnp.float32) * 0.05
    gate_h_b = jnp.zeros((gate_units,), dtype=jnp.float32)
    gate_out_w = jax.random.normal(ks[6], (1, gate_units), dtype=jnp.float32) * 0.05
    gate_out_b = jnp.zeros((1,), dtype=jnp.float32)
    out_w = jax.random.normal(ks[7], (out_features, nf), dtype=jnp.float32) * 0.05
    out_b = jnp.zeros((out_features,), dtype=jnp.float32)
    return {"x": x, "edge_index": edge_index, "batch": batch,
            "prior_logits": prior_logits, "emission_logits": emission_logits,
            "gate_h_w": gate_h_w, "gate_h_b": gate_h_b,
            "gate_out_w": gate_out_w, "gate_out_b": gate_out_b,
            "out_w": out_w, "out_b": out_b}


def reference(x, edge_index, batch, prior_logits, emission_logits,
              gate_h_w, gate_h_b, gate_out_w, gate_out_b, out_w, out_b):
    n_gen = prior_logits.shape[0]
    # CGMM base layer (layer 0): per-node log-likelihood under each of n_gen
    # categorical mixture models: logsumexp_c [log P(c) + log P(x_u | c)]
    log_prior = jax.nn.log_softmax(prior_logits, axis=1)          # [G, C]
    log_emis = jax.nn.log_softmax(emission_logits, axis=2)        # [G, C, M]
    em = log_emis[:, :, x]                                        # [G, C, N] gather
    ll = jax.nn.logsumexp(log_prior[:, :, None] + em, axis=1)     # [G, N]
    log_likelihood = ll.T[:, None, :]                             # [N, 1, G]
    # BatchNorm1d(affine=False), training-mode stats (biased variance)
    v = log_likelihood[:, 0]                                      # [N, G]
    mean = jnp.mean(v, axis=0)
    var = jnp.var(v, axis=0)
    bn = (v - mean) / jnp.sqrt(var + 1e-5)
    b_norm_lhood = bn[:, None, :]                                 # [N, 1, G]
    Cmat = contrastive_matrix(n_gen)                              # [G, nf]
    c_neurons = jnp.tanh(b_norm_lhood @ Cmat)                     # [N, 1, nf]
    c_neurons = jax.lax.stop_gradient(c_neurons)                  # .detach_()
    c = c_neurons[:, 0]                                           # [N, nf]
    # GlobalAttention pooling with _GateNN gate
    gate = jnp.tanh(c @ gate_h_w.T + gate_h_b) @ gate_out_w.T + gate_out_b  # [N, 1]
    gmax = jax.ops.segment_max(gate, batch, num_segments=N_GRAPHS)
    gate = jnp.exp(gate - gmax[batch])
    denom = jax.ops.segment_sum(gate, batch, num_segments=N_GRAPHS)
    w = gate / (denom[batch] + 1e-16)
    r = jax.ops.segment_sum(w * c, batch, num_segments=N_GRAPHS)  # [B, nf]
    out = r @ out_w.T + out_b
    return out

if __name__ == "__main__":
    import jax
    _d = setup_inputs()
    print(jax.jit(kernel)(*tuple(_d.values())))

</pallas_src>

<mosaic_0001>
#map = affine_map<(d0, d1) -> (0)>
#map1 = affine_map<(d0, d1) -> (0, 0, 0)>
module attributes {stable_mosaic.version = 14 : i64} {
  func.func @_hist_body(%arg0: i32, %arg1: i32, %arg2: memref<50000xi32, #tpu.memory_space<hbm>>, %arg3: memref<50000xi32, #tpu.memory_space<hbm>>, %arg4: memref<32x256x128xf32, #tpu.memory_space<hbm>>, %arg5: memref<1568xi32, #tpu.memory_space<vmem>>, %arg6: memref<1568xi32, #tpu.memory_space<vmem>>, %arg7: memref<256x128xf32, #tpu.memory_space<vmem>>, %arg8: memref<!tpu.dma_semaphore, #tpu.memory_space<semaphore_mem>>, %arg9: memref<!tpu.dma_semaphore, #tpu.memory_space<semaphore_mem>>) attributes {dimension_semantics = [#tpu.dimension_semantics<core_parallel>, #tpu.dimension_semantics<subcore_parallel>], iteration_bounds = array<i64: 2, 16>, scalar_prefetch = 0 : i64, scratch_operands = 5 : i64, tpu.core_type = #tpu.core_type<sc_vector_subcore>, window_params = [{transform_indices = #map}, {transform_indices = #map}, {transform_indices = #map1}]} {
    %mul3A = arith.constant 2 : i32
    %mul3A_0 = arith.muli %arg1, %mul3A : i32
    %add3A = arith.addi %mul3A_0, %arg0 : i32
    %eq3A = arith.constant 31 : i32
    %eq3A_1 = arith.cmpi eq, %add3A, %eq3A : i32
    %mul3A_2 = arith.constant 1568 : i32
    %mul3A_3 = arith.muli %add3A, %mul3A_2 : i32
    %jit3A = arith.constant 48432 : i32
    %select_n3A = arith.select %eq3A_1, %jit3A, %mul3A_3 : i32
    %dma_start3A = tpu.memref_slice %arg2[%select_n3A] : memref<50000xi32, #tpu.memory_space<hbm>> -> memref<1568xi32, #tpu.memory_space<hbm>>
    %dma_start3A_4 = tpu.memref_slice %arg2[%select_n3A] : memref<50000xi32, #tpu.memory_space<hbm>> -> memref<1568xi32, #tpu.memory_space<hbm>>
    tpu.enqueue_dma source(%dma_start3A_4 : memref<1568xi32, #tpu.memory_space<hbm>>) target(%arg5 : memref<1568xi32, #tpu.memory_space<vmem>>) target_semaphore(%arg8 : memref<!tpu.dma_semaphore, #tpu.memory_space<semaphore_mem>>)
    %dma_start3A_5 = tpu.memref_slice %arg3[%select_n3A] : memref<50000xi32, #tpu.memory_space<hbm>> -> memref<1568xi32, #tpu.memory_space<hbm>>
    %dma_start3A_6 = tpu.memref_slice %arg3[%select_n3A] : memref<50000xi32, #tpu.memory_space<hbm>> -> memref<1568xi32, #tpu.memory_space<hbm>>
    tpu.enqueue_dma source(%dma_start3A_6 : memref<1568xi32, #tpu.memory_space<hbm>>) target(%arg6 : memref<1568xi32, #tpu.memory_space<vmem>>) target_semaphore(%arg9 : memref<!tpu.dma_semaphore, #tpu.memory_space<semaphore_mem>>)
    %broadcast_in_dim3A = arith.constant 0.000000e+00 : f32
    %broadcast_in_dim3A_7 = vector.broadcast %broadcast_in_dim3A : f32 to vector<16xf32>
    %parallel_loop3A = arith.constant 0 : i32
    %parallel_loop3A_8 = arith.constant 2048 : i32
    %parallel_loop3A_9 = arith.constant 1 : i32
    scf.for %parallel_loop3A_20 = %parallel_loop3A to %parallel_loop3A_8 step %parallel_loop3A_9  : i32 {
      %parallel_loop3A_21 = arith.constant 8 : i32
      %parallel_loop3A_22 = arith.divsi %parallel_loop3A_20, %parallel_loop3A_21 : i32
      %parallel_loop3A_23 = arith.constant 0 : i32
      %parallel_loop3A_24 = arith.cmpi sgt, %parallel_loop3A_20, %parallel_loop3A_23 : i32
      %parallel_loop3A_25 = arith.extui %parallel_loop3A_24 : i1 to i32
      %parallel_loop3A_26 = arith.constant 0 : i32
      %parallel_loop3A_27 = arith.cmpi slt, %parallel_loop3A_20, %parallel_loop3A_26 : i32
      %parallel_loop3A_28 = arith.extui %parallel_loop3A_27 : i1 to i32
      %parallel_loop3A_29 = arith.subi %parallel_loop3A_25, %parallel_loop3A_28 : i32
      %parallel_loop3A_30 = arith.constant 0 : i32
      %parallel_loop3A_31 = arith.cmpi sgt, %parallel_loop3A_21, %parallel_loop3A_30 : i32
      %parallel_loop3A_32 = arith.extui %parallel_loop3A_31 : i1 to i32
      %parallel_loop3A_33 = arith.constant 0 : i32
      %parallel_loop3A_34 = arith.cmpi slt, %parallel_loop3A_21, %parallel_loop3A_33 : i32
      %parallel_loop3A_35 = arith.extui %parallel_loop3A_34 : i1 to i32
      %parallel_loop3A_36 = arith.subi %parallel_loop3A_32, %parallel_loop3A_35 : i32
      %parallel_loop3A_37 = arith.cmpi ne, %parallel_loop3A_29, %parallel_loop3A_36 : i32
      %parallel_loop3A_38 = arith.remsi %parallel_loop3A_20, %parallel_loop3A_21 : i32
      %parallel_loop3A_39 = arith.constant 0 : i32
      %parallel_loop3A_40 = arith.cmpi ne, %parallel_loop3A_38, %parallel_loop3A_39 : i32
      %parallel_loop3A_41 = arith.andi %parallel_loop3A_37, %parallel_loop3A_40 : i1
      %parallel_loop3A_42 = arith.constant 1 : i32
      %parallel_loop3A_43 = arith.subi %parallel_loop3A_22, %parallel_loop3A_42 : i32
      %parallel_loop3A_44 = arith.select %parallel_loop3A_41, %parallel_loop3A_43, %parallel_loop3A_22 : i32
      %parallel_loop3A_45 = arith.constant 8 : i32
      %parallel_loop3A_46 = arith.constant 0 : i32
      %parallel_loop3A_47 = arith.cmpi eq, %parallel_loop3A_45, %parallel_loop3A_46 : i32
      %parallel_loop3A_48 = arith.constant 1 : i32
      %parallel_loop3A_49 = arith.select %parallel_loop3A_47, %parallel_loop3A_48, %parallel_loop3A_45 : i32
      %parallel_loop3A_50 = arith.remsi %parallel_loop3A_20, %parallel_loop3A_49 : i32
      %parallel_loop3A_51 = arith.constant 0 : i32
      %parallel_loop3A_52 = arith.cmpi ne, %parallel_loop3A_50, %parallel_loop3A_51 : i32
      %parallel_loop3A_53 = arith.constant 0 : i32
      %parallel_loop3A_54 = arith.cmpi slt, %parallel_loop3A_50, %parallel_loop3A_53 : i32
      %parallel_loop3A_55 = arith.constant 0 : i32
      %parallel_loop3A_56 = arith.cmpi slt, %parallel_loop3A_49, %parallel_loop3A_55 : i32
      %parallel_loop3A_57 = arith.xori %parallel_loop3A_54, %parallel_loop3A_56 : i1
      %parallel_loop3A_58 = arith.andi %parallel_loop3A_57, %parallel_loop3A_52 : i1
      %parallel_loop3A_59 = arith.addi %parallel_loop3A_50, %parallel_loop3A_49 : i32
      %parallel_loop3A_60 = arith.select %parallel_loop3A_58, %parallel_loop3A_59, %parallel_loop3A_50 : i32
      %parallel_loop3A_61 = arith.constant 16 : i32
      %parallel_loop3A_62 = arith.muli %parallel_loop3A_60, %parallel_loop3A_61 : i32
      %parallel_loop3A_63 = arith.index_cast %parallel_loop3A_44 : i32 to index
      %parallel_loop3A_64 = arith.index_cast %parallel_loop3A_62 : i32 to index
      %parallel_loop3A_65 = tpu.vector_load %arg7[%parallel_loop3A_63, %parallel_loop3A_64] {strides = array<i32>} : memref<256x128xf32, #tpu.memory_space<vmem>>, vector<16xf32>,
      tpu.vector_store %arg7[%parallel_loop3A_63, %parallel_loop3A_64], %broadcast_in_dim3A_7 {strides = array<i32>} : memref<256x128xf32, #tpu.memory_space<vmem>>, vector<16xf32>,
    } {sc.loop_unroll_factor = 8 : i64, sc.parallel_access}
    %dma_wait3A = tpu.memref_slice %arg2[%select_n3A] : memref<50000xi32, #tpu.memory_space<hbm>> -> memref<1568xi32, #tpu.memory_space<hbm>>
    %dma_wait3A_10 = tpu.memref_slice %arg2[%select_n3A] : memref<50000xi32, #tpu.memory_space<hbm>> -> memref<1568xi32, #tpu.memory_space<hbm>>
    tpu.wait_dma2 semaphore(%arg8 : memref<!tpu.dma_semaphore, #tpu.memory_space<semaphore_mem>>) src(%dma_wait3A_10 : memref<1568xi32, #tpu.memory_space<hbm>>) dst(%arg5 : memref<1568xi32, #tpu.memory_space<vmem>>)
    %dma_wait3A_11 = tpu.memref_slice %arg3[%select_n3A] : memref<50000xi32, #tpu.memory_space<hbm>> -> memref<1568xi32, #tpu.memory_space<hbm>>
    %dma_wait3A_12 = tpu.memref_slice %arg3[%select_n3A] : memref<50000xi32, #tpu.memory_space<hbm>> -> memref<1568xi32, #tpu.memory_space<hbm>>
    tpu.wait_dma2 semaphore(%arg9 : memref<!tpu.dma_semaphore, #tpu.memory_space<semaphore_mem>>) src(%dma_wait3A_12 : memref<1568xi32, #tpu.memory_space<hbm>>) dst(%arg6 : memref<1568xi32, #tpu.memory_space<vmem>>)
    %broadcast_in_dim3A_13 = arith.constant 1.000000e+00 : f32
    %broadcast_in_dim3A_14 = vector.broadcast %broadcast_in_dim3A_13 : f32 to vector<16xf32>
    %parallel_loop3A_15 = arith.constant 11 : i32
    %parallel_loop3A_16 = arith.constant 98 : i32
    %parallel_loop3A_17 = arith.constant 1 : i32
    scf.for %parallel_loop3A_20 = %parallel_loop3A_15 to %parallel_loop3A_16 step %parallel_loop3A_17  : i32 {
      %parallel_loop3A_21 = arith.constant 16 : i32
      %parallel_loop3A_22 = arith.muli %parallel_loop3A_20, %parallel_loop3A_21 : i32
      %parallel_loop3A_23 = arith.index_cast %parallel_loop3A_22 : i32 to index
      %parallel_loop3A_24 = tpu.vector_load %arg5[%parallel_loop3A_23] {strides = array<i32>} : memref<1568xi32, #tpu.memory_space<vmem>>, vector<16xi32>,
      %parallel_loop3A_25 = arith.constant 16 : i32
      %parallel_loop3A_26 = arith.muli %parallel_loop3A_20, %parallel_loop3A_25 : i32
      %parallel_loop3A_27 = arith.index_cast %parallel_loop3A_26 : i32 to index
      %parallel_loop3A_28 = tpu.vector_load %arg6[%parallel_loop3A_27] {strides = array<i32>} : memref<1568xi32, #tpu.memory_space<vmem>>, vector<16xi32>,
      tpu.vector_store_idx %arg7[%parallel_loop3A_28, %parallel_loop3A_24], %broadcast_in_dim3A_14 {add = true} : memref<256x128xf32, #tpu.memory_space<vmem>>[vector<16xi32>, vector<16xi32>], vector<16xf32>,
    } {sc.loop_unroll_factor = 4 : i64, sc.parallel_access}
    %not3A = arith.constant true
    %not3A_18 = arith.xori %eq3A_1, %not3A : i1
    %convert_element_type3A = arith.extui %not3A_18 : i1 to i32
    %cond3A = arith.constant 0 : i32
    %cond3A_19 = arith.cmpi ne, %convert_element_type3A, %cond3A : i32
    scf.if %cond3A_19 {
      %parallel_loop3A_20 = arith.constant 0 : i32
      %parallel_loop3A_21 = arith.constant 11 : i32
      %parallel_loop3A_22 = arith.constant 1 : i32
      scf.for %parallel_loop3A_23 = %parallel_loop3A_20 to %parallel_loop3A_21 step %parallel_loop3A_22  : i32 {
        %parallel_loop3A_24 = arith.constant 16 : i32
        %parallel_loop3A_25 = arith.muli %parallel_loop3A_23, %parallel_loop3A_24 : i32
        %parallel_loop3A_26 = arith.index_cast %parallel_loop3A_25 : i32 to index
        %parallel_loop3A_27 = tpu.vector_load %arg5[%parallel_loop3A_26] {strides = array<i32>} : memref<1568xi32, #tpu.memory_space<vmem>>, vector<16xi32>,
        %parallel_loop3A_28 = arith.constant 16 : i32
        %parallel_loop3A_29 = arith.muli %parallel_loop3A_23, %parallel_loop3A_28 : i32
        %parallel_loop3A_30 = arith.index_cast %parallel_loop3A_29 : i32 to index
        %parallel_loop3A_31 = tpu.vector_load %arg6[%parallel_loop3A_30] {strides = array<i32>} : memref<1568xi32, #tpu.memory_space<vmem>>, vector<16xi32>,
        tpu.vector_store_idx %arg7[%parallel_loop3A_31, %parallel_loop3A_27], %broadcast_in_dim3A_14 {add = true} : memref<256x128xf32, #tpu.memory_space<vmem>>[vector<16xi32>, vector<16xi32>], vector<16xf32>,
      } {sc.loop_unroll_factor = 4 : i64, sc.parallel_access}
    } else {
    }
    "tpu.region"() ({
      %run_scoped3A = tpu.sem_alloc : memref<!tpu.dma_semaphore, #tpu.memory_space<semaphore_mem>>
      %dma_start3A_20 = arith.constant 0 : i32
      %dma_start3A_21 = arith.constant 0 : i32
      %dma_start3A_22 = tpu.memref_slice %arg4[%add3A, %dma_start3A_20, %dma_start3A_21] : memref<32x256x128xf32, #tpu.memory_space<hbm>> -> memref<1x256x128xf32, #tpu.memory_space<hbm>>
      %dma_start3A_23 = tpu.memref_squeeze %dma_start3A_22 : memref<1x256x128xf32, #tpu.memory_space<hbm>> -> memref<256x128xf32, #tpu.memory_space<hbm>>
      %dma_start3A_24 = arith.constant 0 : i32
      %dma_start3A_25 = arith.constant 0 : i32
      %dma_start3A_26 = tpu.memref_slice %arg4[%add3A, %dma_start3A_24, %dma_start3A_25] : memref<32x256x128xf32, #tpu.memory_space<hbm>> -> memref<1x256x128xf32, #tpu.memory_space<hbm>>
      %dma_start3A_27 = tpu.memref_squeeze %dma_start3A_26 : memref<1x256x128xf32, #tpu.memory_space<hbm>> -> memref<256x128xf32, #tpu.memory_space<hbm>>
      tpu.enqueue_dma source(%arg7 : memref<256x128xf32, #tpu.memory_space<vmem>>) target(%dma_start3A_27 : memref<256x128xf32, #tpu.memory_space<hbm>>) target_semaphore(%run_scoped3A : memref<!tpu.dma_semaphore, #tpu.memory_space<semaphore_mem>>)
      %dma_wait3A_28 = arith.constant 0 : i32
      %dma_wait3A_29 = arith.constant 0 : i32
      %dma_wait3A_30 = tpu.memref_slice %arg4[%add3A, %dma_wait3A_28, %dma_wait3A_29] : memref<32x256x128xf32, #tpu.memory_space<hbm>> -> memref<1x256x128xf32, #tpu.memory_space<hbm>>
      %dma_wait3A_31 = tpu.memref_squeeze %dma_wait3A_30 : memref<1x256x128xf32, #tpu.memory_space<hbm>> -> memref<256x128xf32, #tpu.memory_space<hbm>>
      %dma_wait3A_32 = arith.constant 0 : i32
      %dma_wait3A_33 = arith.constant 0 : i32
      %dma_wait3A_34 = tpu.memref_slice %arg4[%add3A, %dma_wait3A_32, %dma_wait3A_33] : memref<32x256x128xf32, #tpu.memory_space<hbm>> -> memref<1x256x128xf32, #tpu.memory_space<hbm>>
      %dma_wait3A_35 = tpu.memref_squeeze %dma_wait3A_34 : memref<1x256x128xf32, #tpu.memory_space<hbm>> -> memref<256x128xf32, #tpu.memory_space<hbm>>
      tpu.wait_dma2 semaphore(%run_scoped3A : memref<!tpu.dma_semaphore, #tpu.memory_space<semaphore_mem>>) src(%arg7 : memref<256x128xf32, #tpu.memory_space<vmem>>) dst(%dma_wait3A_35 : memref<256x128xf32, #tpu.memory_space<hbm>>)
      tpu.yield
    }) : () -> ()
    return
  }
}

module attributes {stable_mosaic.version = 14 : i64} {
  func.func @_dense_body(%arg0: memref<32x256x128xf32, #tpu.memory_space<hbm>>, %arg1: memref<32x8xf32, #tpu.memory_space<vmem>>, %arg2: memref<32x8x128xf32, #tpu.memory_space<vmem>>, %arg3: memref<496x32xf32, #tpu.memory_space<vmem>>, %arg4: memref<32x496xf32, #tpu.memory_space<vmem>>, %arg5: memref<128x496xf32, #tpu.memory_space<vmem>>, %arg6: memref<128x1xf32, #tpu.memory_space<vmem>>, %arg7: memref<128x1xf32, #tpu.memory_space<vmem>>, %arg8: memref<1x1xf32, #tpu.memory_space<vmem>>, %arg9: memref<10x496xf32, #tpu.memory_space<vmem>>, %arg10: memref<1x10xf32, #tpu.memory_space<vmem>>, %arg11: memref<256x10xf32, #tpu.memory_space<vmem>>, %arg12: memref<32x256x128xf32, #tpu.memory_space<vmem>>, %arg13: memref<!tpu.dma_semaphore, #tpu.memory_space<semaphore_mem>>) attributes {dimension_semantics = [], scalar_prefetch = 0 : i64, scratch_operands = 2 : i64, tpu.core_type = #tpu.core_type<tc>} {
    tpu.enqueue_dma source(%arg0 : memref<32x256x128xf32, #tpu.memory_space<hbm>>) target(%arg12 : memref<32x256x128xf32, #tpu.memory_space<vmem>>) target_semaphore(%arg13 : memref<!tpu.dma_semaphore, #tpu.memory_space<semaphore_mem>>)
    %get3A = arith.constant 0 : index
    %get3A_0 = arith.constant 0 : index
    %get3A_1 = vector.load %arg1[%get3A, %get3A_0] : memref<32x8xf32, #tpu.memory_space<vmem>>, vector<32x8xf32>
    %reduce_max3A = arith.constant dense<0xFF800000> : vector<32xf32>
    %reduce_max3A_2 = vector.multi_reduction <maximumf>, %get3A_1, %reduce_max3A [1] : vector<32x8xf32> to vector<32xf32>
    %broadcast_in_dim3A = vector.shape_cast %reduce_max3A_2 : vector<32xf32> to vector<32x1xf32>
    %sub3A = vector.broadcast %broadcast_in_dim3A : vector<32x1xf32> to vector<32x8xf32>
    %sub3A_3 = arith.subf %get3A_1, %sub3A : vector<32x8xf32>
    %exp3A = math.exp %sub3A_3 : vector<32x8xf32>
    %reduce_sum3A = arith.constant dense<0.000000e+00> : vector<32xf32>
    %reduce_sum3A_4 = vector.multi_reduction <add>, %exp3A, %reduce_sum3A [1] : vector<32x8xf32> to vector<32xf32>
    %broadcast_in_dim3A_5 = vector.shape_cast %reduce_sum3A_4 : vector<32xf32> to vector<32x1xf32>
    %log3A = math.log %broadcast_in_dim3A_5 : vector<32x1xf32>
    %add3A = arith.addf %log3A, %broadcast_in_dim3A : vector<32x1xf32>
    %sub3A_6 = vector.broadcast %add3A : vector<32x1xf32> to vector<32x8xf32>
    %sub3A_7 = arith.subf %get3A_1, %sub3A_6 : vector<32x8xf32>
    %get3A_8 = arith.constant 0 : index
    %get3A_9 = arith.constant 0 : index
    %get3A_10 = arith.constant 0 : index
    %get3A_11 = vector.load %arg2[%get3A_8, %get3A_9, %get3A_10] : memref<32x8x128xf32, #tpu.memory_space<vmem>>, vector<32x8x128xf32>
    %reduce_max3A_12 = arith.constant dense<0xFF800000> : vector<32x8xf32>
    %reduce_max3A_13 = vector.multi_reduction <maximumf>, %get3A_11, %reduce_max3A_12 [2] : vector<32x8x128xf32> to vector<32x8xf32>
    %broadcast_in_dim3A_14 = vector.shape_cast %reduce_max3A_13 : vector<32x8xf32> to vector<32x8x1xf32>
    %sub3A_15 = vector.broadcast %broadcast_in_dim3A_14 : vector<32x8x1xf32> to vector<32x8x128xf32>
    %sub3A_16 = arith.subf %get3A_11, %sub3A_15 : vector<32x8x128xf32>
    %exp3A_17 = math.exp %sub3A_16 : vector<32x8x128xf32>
    %reduce_sum3A_18 = arith.constant dense<0.000000e+00> : vector<32x8xf32>
    %reduce_sum3A_19 = vector.multi_reduction <add>, %exp3A_17, %reduce_sum3A_18 [2] : vector<32x8x128xf32> to vector<32x8xf32>
    %broadcast_in_dim3A_20 = vector.shape_cast %reduce_sum3A_19 : vector<32x8xf32> to vector<32x8x1xf32>
    %log3A_21 = math.log %broadcast_in_dim3A_20 : vector<32x8x1xf32>
    %add3A_22 = arith.addf %log3A_21, %broadcast_in_dim3A_14 : vector<32x8x1xf32>
    %sub3A_23 = vector.broadcast %add3A_22 : vector<32x8x1xf32> to vector<32x8x128xf32>
    %sub3A_24 = arith.subf %get3A_11, %sub3A_23 : vector<32x8x128xf32>
    %broadcast_in_dim3A_25 = vector.shape_cast %sub3A_7 : vector<32x8xf32> to vector<32x8x1xf32>
    %add3A_26 = vector.broadcast %broadcast_in_dim3A_25 : vector<32x8x1xf32> to vector<32x8x128xf32>
    %add3A_27 = arith.addf %sub3A_24, %add3A_26 : vector<32x8x128xf32>
    %reduce_max3A_28 = arith.constant dense<0xFF800000> : vector<32x128xf32>
    %reduce_max3A_29 = vector.multi_reduction <maximumf>, %add3A_27, %reduce_max3A_28 [1] : vector<32x8x128xf32> to vector<32x128xf32>
    %broadcast_in_dim3A_30 = vector.shape_cast %reduce_max3A_29 : vector<32x128xf32> to vector<32x1x128xf32>
    %sub3A_31 = vector.broadcast %broadcast_in_dim3A_30 : vector<32x1x128xf32> to vector<32x8x128xf32>
    %sub3A_32 = arith.subf %add3A_27, %sub3A_31 : vector<32x8x128xf32>
    %exp3A_33 = math.exp %sub3A_32 : vector<32x8x128xf32>
    %reduce_sum3A_34 = arith.constant dense<0.000000e+00> : vector<32x128xf32>
    %reduce_sum3A_35 = vector.multi_reduction <add>, %exp3A_33, %reduce_sum3A_34 [1] : vector<32x8x128xf32> to vector<32x128xf32>
    %log3A_36 = math.log %reduce_sum3A_35 : vector<32x128xf32>
    %squeeze3A = vector.shape_cast %broadcast_in_dim3A_30 : vector<32x1x128xf32> to vector<32x128xf32>
    %add3A_37 = arith.addf %log3A_36, %squeeze3A : vector<32x128xf32>
    %transpose3A = tpu.transpose %add3A_37, [1, 0] : vector<32x128xf32> -> vector<128x32xf32>
    tpu.wait_dma2 semaphore(%arg13 : memref<!tpu.dma_semaphore, #tpu.memory_space<semaphore_mem>>) src(%arg0 : memref<32x256x128xf32, #tpu.memory_space<hbm>>) dst(%arg12 : memref<32x256x128xf32, #tpu.memory_space<vmem>>)
    %get3A_38 = arith.constant 0 : index
    %get3A_39 = arith.constant 0 : index
    %get3A_40 = arith.constant 0 : index
    %get3A_41 = vector.load %arg12[%get3A_38, %get3A_39, %get3A_40] : memref<32x256x128xf32, #tpu.memory_space<vmem>>, vector<32x256x128xf32>
    %reduce_sum3A_42 = arith.constant dense<0.000000e+00> : vector<256x128xf32>
    %reduce_sum3A_43 = vector.multi_reduction <add>, %get3A_41, %reduce_sum3A_42 [0] : vector<32x256x128xf32> to vector<256x128xf32>
    %reduce_sum3A_44 = arith.constant dense<0.000000e+00> : vector<128xf32>
    %reduce_sum3A_45 = vector.multi_reduction <add>, %reduce_sum3A_43, %reduce_sum3A_44 [0] : vector<256x128xf32> to vector<128xf32>
    %broadcast_in_dim3A_46 = vector.shape_cast %reduce_sum3A_45 : vector<128xf32> to vector<1x128xf32>
    %dot_general3A = arith.constant dense<0.000000e+00> : vector<1x32xf32>
    %dot_general3A_47 = tpu.matmul %broadcast_in_dim3A_46, %transpose3A, %dot_general3A {dimension_numbers = #tpu.dot_dimension_numbers<[1], [0], [0], [1], [0, 0, 1, 1], [], []>, precision = #tpu.contract_precision<fp32>, transpose_lhs_hint = false} : vector<1x128xf32>, vector<128x32xf32>, vector<1x32xf32> -> vector<1x32xf32>
    %mul3A = arith.constant 2.000000e-05 : f32
    %mul3A_48 = vector.broadcast %mul3A : f32 to vector<1x32xf32>
    %mul3A_49 = arith.mulf %dot_general3A_47, %mul3A_48 : vector<1x32xf32>
    %mul3A_50 = arith.mulf %transpose3A, %transpose3A : vector<128x32xf32>
    %dot_general3A_51 = arith.constant dense<0.000000e+00> : vector<1x32xf32>
    %dot_general3A_52 = tpu.matmul %broadcast_in_dim3A_46, %mul3A_50, %dot_general3A_51 {dimension_numbers = #tpu.dot_dimension_numbers<[1], [0], [0], [1], [0, 0, 1, 1], [], []>, precision = #tpu.contract_precision<fp32>, transpose_lhs_hint = false} : vector<1x128xf32>, vector<128x32xf32>, vector<1x32xf32> -> vector<1x32xf32>
    %mul3A_53 = arith.constant 2.000000e-05 : f32
    %mul3A_54 = vector.broadcast %mul3A_53 : f32 to vector<1x32xf32>
    %mul3A_55 = arith.mulf %dot_general3A_52, %mul3A_54 : vector<1x32xf32>
    %mul3A_56 = arith.mulf %mul3A_49, %mul3A_49 : vector<1x32xf32>
    %sub3A_57 = arith.subf %mul3A_55, %mul3A_56 : vector<1x32xf32>
    %add3A_58 = arith.constant 9.99999974E-6 : f32
    %add3A_59 = vector.broadcast %add3A_58 : f32 to vector<1x32xf32>
    %add3A_60 = arith.addf %sub3A_57, %add3A_59 : vector<1x32xf32>
    %rsqrt3A = math.rsqrt %add3A_60 : vector<1x32xf32>
    %sub3A_61 = vector.broadcast %mul3A_49 : vector<1x32xf32> to vector<128x32xf32>
    %sub3A_62 = arith.subf %transpose3A, %sub3A_61 : vector<128x32xf32>
    %mul3A_63 = vector.broadcast %rsqrt3A : vector<1x32xf32> to vector<128x32xf32>
    %mul3A_64 = arith.mulf %sub3A_62, %mul3A_63 : vector<128x32xf32>
    %get3A_65 = arith.constant 0 : index
    %get3A_66 = arith.constant 0 : index
    %get3A_67 = vector.load %arg4[%get3A_65, %get3A_66] : memref<32x496xf32, #tpu.memory_space<vmem>>, vector<32x496xf32>
    %dot_general3A_68 = arith.constant dense<0.000000e+00> : vector<128x496xf32>
    %dot_general3A_69 = tpu.matmul %mul3A_64, %get3A_67, %dot_general3A_68 {dimension_numbers = #tpu.dot_dimension_numbers<[1], [0], [0], [1], [0, 0, 1, 1], [], []>, precision = #tpu.contract_precision<fp32>, transpose_lhs_hint = false} : vector<128x32xf32>, vector<32x496xf32>, vector<128x496xf32> -> vector<128x496xf32>
    %tanh3A = math.tanh %dot_general3A_69 : vector<128x496xf32>
    %get3A_70 = arith.constant 0 : index
    %get3A_71 = arith.constant 0 : index
    %get3A_72 = vector.load %arg3[%get3A_70, %get3A_71] : memref<496x32xf32, #tpu.memory_space<vmem>>, vector<496x32xf32>
    %mul3A_73 = vector.broadcast %rsqrt3A : vector<1x32xf32> to vector<496x32xf32>
    %mul3A_74 = arith.mulf %get3A_72, %mul3A_73 : vector<496x32xf32>
    %mul3A_75 = vector.broadcast %mul3A_49 : vector<1x32xf32> to vector<496x32xf32>
    %mul3A_76 = arith.mulf %mul3A_74, %mul3A_75 : vector<496x32xf32>
    %reduce_sum3A_77 = arith.constant dense<0.000000e+00> : vector<496xf32>
    %reduce_sum3A_78 = vector.multi_reduction <add>, %mul3A_76, %reduce_sum3A_77 [1] : vector<496x32xf32> to vector<496xf32>
    %broadcast_in_dim3A_79 = vector.shape_cast %reduce_sum3A_78 : vector<496xf32> to vector<496x1xf32>
    %dot_general3A_80 = arith.constant dense<0.000000e+00> : vector<496x128xf32>
    %dot_general3A_81 = tpu.matmul %mul3A_74, %add3A_37, %dot_general3A_80 {dimension_numbers = #tpu.dot_dimension_numbers<[1], [0], [0], [1], [0, 0, 1, 1], [], []>, precision = #tpu.contract_precision<fp32>, transpose_lhs_hint = false} : vector<496x32xf32>, vector<32x128xf32>, vector<496x128xf32> -> vector<496x128xf32>
    %sub3A_82 = vector.broadcast %broadcast_in_dim3A_79 : vector<496x1xf32> to vector<496x128xf32>
    %sub3A_83 = arith.subf %dot_general3A_81, %sub3A_82 : vector<496x128xf32>
    %tanh3A_84 = math.tanh %sub3A_83 : vector<496x128xf32>
    %get3A_85 = arith.constant 0 : index
    %get3A_86 = arith.constant 0 : index
    %get3A_87 = vector.load %arg5[%get3A_85, %get3A_86] : memref<128x496xf32, #tpu.memory_space<vmem>>, vector<128x496xf32>
    %dot_general3A_88 = arith.constant dense<0.000000e+00> : vector<128x128xf32>
    %dot_general3A_89 = tpu.matmul %get3A_87, %tanh3A_84, %dot_general3A_88 {dimension_numbers = #tpu.dot_dimension_numbers<[1], [0], [0], [1], [0, 0, 1, 1], [], []>, precision = #tpu.contract_precision<fp32>, transpose_lhs_hint = false} : vector<128x496xf32>, vector<496x128xf32>, vector<128x128xf32> -> vector<128x128xf32>
    %get3A_90 = arith.constant 0 : index
    %get3A_91 = arith.constant 0 : index
    %get3A_92 = vector.load %arg6[%get3A_90, %get3A_91] : memref<128x1xf32, #tpu.memory_space<vmem>>, vector<128x1xf32>
    %add3A_93 = vector.broadcast %get3A_92 : vector<128x1xf32> to vector<128x128xf32>
    %add3A_94 = arith.addf %dot_general3A_89, %add3A_93 : vector<128x128xf32>
    %tanh3A_95 = math.tanh %add3A_94 : vector<128x128xf32>
    %get3A_96 = arith.constant 0 : index
    %get3A_97 = arith.constant 0 : index
    %get3A_98 = vector.load %arg7[%get3A_96, %get3A_97] : memref<128x1xf32, #tpu.memory_space<vmem>>, vector<128x1xf32>
    %mul3A_99 = vector.broadcast %get3A_98 : vector<128x1xf32> to vector<128x128xf32>
    %mul3A_100 = arith.mulf %tanh3A_95, %mul3A_99 : vector<128x128xf32>
    %reduce_sum3A_101 = arith.constant dense<0.000000e+00> : vector<128xf32>
    %reduce_sum3A_102 = vector.multi_reduction <add>, %mul3A_100, %reduce_sum3A_101 [0] : vector<128x128xf32> to vector<128xf32>
    %broadcast_in_dim3A_103 = vector.shape_cast %reduce_sum3A_102 : vector<128xf32> to vector<1x128xf32>
    %get3A_104 = arith.constant 0 : index
    %get3A_105 = arith.constant 0 : index
    %get3A_106 = vector.load %arg8[%get3A_104, %get3A_105] : memref<1x1xf32, #tpu.memory_space<vmem>>, vector<1x1xf32>
    %add3A_107 = vector.broadcast %get3A_106 : vector<1x1xf32> to vector<1x128xf32>
    %add3A_108 = arith.addf %broadcast_in_dim3A_103, %add3A_107 : vector<1x128xf32>
    %gt3A = arith.constant 0.000000e+00 : f32
    %gt3A_109 = vector.broadcast %gt3A : f32 to vector<256x128xf32>
    %gt3A_110 = arith.cmpf ogt, %reduce_sum3A_43, %gt3A_109 : vector<256x128xf32>
    %jit3A = arith.constant -1.000000e+30 : f32
    %broadcast_in_dim3A_111 = vector.shape_cast %add3A_108 : vector<1x128xf32> to vector<1x128xf32>
    %broadcast_in_dim3A_112 = vector.broadcast %broadcast_in_dim3A_111 : vector<1x128xf32> to vector<256x128xf32>
    %broadcast_in_dim3A_113 = vector.broadcast %jit3A : f32 to vector<256x128xf32>
    %select_n3A = arith.select %gt3A_110, %broadcast_in_dim3A_112, %broadcast_in_dim3A_113 : vector<256x128xi1>, vector<256x128xf32>
    %reduce_max3A_114 = arith.constant dense<0xFF800000> : vector<256xf32>
    %reduce_max3A_115 = vector.multi_reduction <maximumf>, %select_n3A, %reduce_max3A_114 [1] : vector<256x128xf32> to vector<256xf32>
    %broadcast_in_dim3A_116 = vector.shape_cast %reduce_max3A_115 : vector<256xf32> to vector<256x1xf32>
    %sub3A_117 = vector.broadcast %add3A_108 : vector<1x128xf32> to vector<256x128xf32>
    %sub3A_118 = vector.broadcast %broadcast_in_dim3A_116 : vector<256x1xf32> to vector<256x128xf32>
    %sub3A_119 = arith.subf %sub3A_117, %sub3A_118 : vector<256x128xf32>
    %min3A = arith.constant 0.000000e+00 : f32
    %min3A_120 = vector.broadcast %min3A : f32 to vector<256x128xf32>
    %min3A_121 = arith.minimumf %sub3A_119, %min3A_120 : vector<256x128xf32>
    %exp3A_122 = math.exp %min3A_121 : vector<256x128xf32>
    %mul3A_123 = arith.mulf %reduce_sum3A_43, %exp3A_122 : vector<256x128xf32>
    %reduce_sum3A_124 = arith.constant dense<0.000000e+00> : vector<256xf32>
    %reduce_sum3A_125 = vector.multi_reduction <add>, %mul3A_123, %reduce_sum3A_124 [1] : vector<256x128xf32> to vector<256xf32>
    %broadcast_in_dim3A_126 = vector.shape_cast %reduce_sum3A_125 : vector<256xf32> to vector<256x1xf32>
    %add3A_127 = arith.constant 1.000000e-16 : f32
    %add3A_128 = vector.broadcast %add3A_127 : f32 to vector<256x1xf32>
    %add3A_129 = arith.addf %broadcast_in_dim3A_126, %add3A_128 : vector<256x1xf32>
    %div3A = vector.broadcast %add3A_129 : vector<256x1xf32> to vector<256x128xf32>
    %div3A_130 = arith.divf %mul3A_123, %div3A : vector<256x128xf32>
    %dot_general3A_131 = arith.constant dense<0.000000e+00> : vector<256x496xf32>
    %dot_general3A_132 = tpu.matmul %div3A_130, %tanh3A, %dot_general3A_131 {dimension_numbers = #tpu.dot_dimension_numbers<[1], [0], [0], [1], [0, 0, 1, 1], [], []>, precision = #tpu.contract_precision<fp32>, transpose_lhs_hint = false} : vector<256x128xf32>, vector<128x496xf32>, vector<256x496xf32> -> vector<256x496xf32>
    %get3A_133 = arith.constant 0 : index
    %get3A_134 = arith.constant 0 : index
    %get3A_135 = vector.load %arg9[%get3A_133, %get3A_134] : memref<10x496xf32, #tpu.memory_space<vmem>>, vector<10x496xf32>
    %dot_general3A_136 = arith.constant dense<0.000000e+00> : vector<256x10xf32>
    %dot_general3A_137 = tpu.matmul %dot_general3A_132, %get3A_135, %dot_general3A_136 {dimension_numbers = #tpu.dot_dimension_numbers<[1], [1], [0], [0], [0, 0, 1, 0], [], []>, precision = #tpu.contract_precision<fp32>, transpose_lhs_hint = false} : vector<256x496xf32>, vector<10x496xf32>, vector<256x10xf32> -> vector<256x10xf32>
    %get3A_138 = arith.constant 0 : index
    %get3A_139 = arith.constant 0 : index
    %get3A_140 = vector.load %arg10[%get3A_138, %get3A_139] : memref<1x10xf32, #tpu.memory_space<vmem>>, vector<1x10xf32>
    %add3A_141 = vector.broadcast %get3A_140 : vector<1x10xf32> to vector<256x10xf32>
    %add3A_142 = arith.addf %dot_general3A_137, %add3A_141 : vector<256x10xf32>
    %swap3A = arith.constant 0 : index
    %swap3A_143 = arith.constant 0 : index
    %swap3A_144 = vector.load %arg11[%swap3A, %swap3A_143] : memref<256x10xf32, #tpu.memory_space<vmem>>, vector<256x10xf32>
    tpu.vector_store %arg11[%swap3A, %swap3A_143], %add3A_142 {strides = array<i32>} : memref<256x10xf32, #tpu.memory_space<vmem>>, vector<256x10xf32>,
    return
  }
}

</mosaic_0001>

<sc_bundles>
// kernel: kernel.4.cloned.1.call-start
scs
__scs_entry_jumppad:
0x0: {  	(pc) =	sbr.rel $0x88, $3  }
0x1: {  	(tag) =	ssettag $0x0;
	lr =	simm.s32 $0x1  }
0x2: {  	[smem:$0x3F97] =	sst lr;
	_ =	strace $0xD0000000  }
0x3: {  	_ = 	snop  }
0x4: {  	_ = 	snop  }
0x5: {  	_ = 	snop  }
0x6: {  	_ = 	snop  }
0x7: {  	_ = 	snop  }
__scs_overlays_trampoline_lowered:
0x8: {  	[smem:$0x3FA6] =	sst s0  }
0x9: {  	[smem:$0x3FA7] =	sst s1  }
0xa: {  	[smem:$0x3FA8] =	sst s2  }
0xb: {  	[smem:$0x3FA9] =	sst s3  }
0xc: {  	[smem:$0x3FAA] =	sst s4  }
0xd: {  	[smem:$0x3FAB] =	sst s5  }
0xe: {  	[smem:$0x3FAC] =	sst s6  }
0xf: {  	[smem:$0x3FAD] =	sst s7  }
0x10: {  	[smem:$0x3FAE] =	sst s8  }
0x11: {  	[smem:$0x3FAF] =	sst s9;
	s0 =	simm.s32 @!p0 $0x0  }
0x12: {  	s1 =	sld [smem:$0x3F95];
	s0 =	simm.s32 @p0 $0x1  }
0x13: {  	[smem:$0x3FB0] =	sst s0;
	s0 =	simm.s32 @!p1 $0x0  }
0x14: {  	s2 =	sld [smem:$0x3F94];
	s0 =	simm.s32 @p1 $0x1  }
0x15: {  	[smem:$0x3FB1] =	sst s0;
	s0 =	simm.s32 @!p2 $0x0  }
0x16: {  	s3 =	sld [smem:$0x3FDB];
	s0 =	simm.s32 @p2 $0x1  }
0x17: {  	s4 =	simm.s32 $0x1BF5;
	[smem:$0x3FB3] =	sst s0  }
0x18: {  	s0 =	sld [smem:$0x3F96];
	_ =	swait.ge [sflag:s4], $0x0  }
0x19: {  	s7 =	sld [smem:$0x3F97]  }
0x1a: {  	s8 =	sadd.s32 $0xFFFFE003, lr  }
0x1b: {  	s9 =	sadd.s32 $0xFFFFFEF7, lr;
	s5 =	simm.s32 $0xFFFFFFFF;
	p2 =	slt.u32 s8, $0xFFFFF086  }
0x1c: {  	p1 =	slt.u32 s9, $0xF7A;
	s5 =	simm.s32 @!p2 $0x0  }
0x1d: {  	s5 =	simm.s32 @p1 $0x1;
	p0 =	seq.s32 s7, s2  }
0x1e: {  	s7 =	smul.u32 @!p0 $0xF7A, s2;
	p2 =	seq.s32 @!p0 s5, $0x0  }
0x1f: {  	s9 =	smul.u32 $0xF7A, s1;
	s8 =	simm.s32 @!p0 $0x1BF5;
	p2 =	por !p2, p0  }
0x20: {  	[sflag:s8] =	ssyncset.s32 @!p0 $0xFFFFF086;
	s6 =	sadd.s32 @!p0 s3, s7;
	s7 =	simm.s32 @!p0 $0x108  }
0x21: {  	s3 =	sadd.s32 s3, s9;
	s6 =	sadd.s32 @!p0 $0x88, s6;
	s7 =	simm.s32 @p2 $0x1082  }
0x22: {  	[simem:s7], [sflag:s8] =	dma.local @!p0 [hbm:s6], $0xF7A  }
0x23: {  	s9 =	sor.u32 $0xD0000000, s2;
	s6 =	simm.s32 $0x108;
	_ =	swait.ge @!p0 [sflag:s8], $0x0  }
0x24: {  	s3 =	sadd.s32 $0x88, s3;
	s6 =	simm.s32 @!p1 $0x1082;
	[sflag:s4] =	ssyncset.s32 $0xFFFFF086  }
0x25: {  	[simem:s6], [sflag:s4] =	dma.local [hbm:s3], $0xF7A  }
0x26: {  	[smem:$0x3F97] =	sst s1;
	(tag) =	ssettag s2;
	_ =	strace s9  }
0x27: {  	s1 =	sld [smem:$0x3FA7]  }
0x28: {  	s2 =	sld [smem:$0x3FA8]  }
0x29: {  	s4 =	sld [smem:$0x3FAA]  }
0x2a: {  	p0 =	seq.s32 s5, $0x0;
	s5 =	sld [smem:$0x3FAB]  }
0x2b: {  	s6 =	sld [smem:$0x3FAC]  }
0x2c: {  	s7 =	sld [smem:$0x3FAD]  }
0x2d: {  	s3 =	simm.s32 $0x108;
	s8 =	sld [smem:$0x3FAE]  }
0x2e: {  	s3 =	simm.s32 @!p0 $0x1082;
	s9 =	sld [smem:$0x3FAF]  }
0x2f: {  	lr =	sadd.s32 s0, s3;
	s0 =	sld [smem:$0x3FA6]  }
0x30: {  	s3 =	sld [smem:$0x3FA9]  }
0x31: {  	[smem:$0x3FB2] =	sst s10  }
0x32: {  	s10 =	sld [smem:$0x3FB0];
	_ =	sdelay $0x3  }
0x33: {  	p0 =	seq.s32 s10, $0x1;
	s10 =	sld [smem:$0x3FB2];
	_ =	sdelay $0x3  }
0x34: {  	[smem:$0x3FB2] =	sst s10  }
0x35: {  	s10 =	sld [smem:$0x3FB1];
	_ =	sdelay $0x3  }
0x36: {  	p1 =	seq.s32 s10, $0x1;
	s10 =	sld [smem:$0x3FB2];
	_ =	sdelay $0x3  }
0x37: {  	[smem:$0x3FB2] =	sst s10  }
0x38: {  	s10 =	sld [smem:$0x3FB3]  }
0x39: {  	_ = 	snop;
	(pc) =	sbr.ind lr, $3  }
0x3a: {  	_ = 	snop  }
0x3b: {  	_ = 	snop  }
0x3c: {  	p2 =	seq.s32 s10, $0x1;
	s10 =	sld [smem:$0x3FB2]  }
0x3d: {  	_ =	shalt  }
0x3e: {  	_ =	shalt  }
0x3f: {  	_ =	shalt  }
0x40: {  	_ =	shalt  }
0x41: {  	_ =	shalt  }
0x42: {  	_ =	shalt  }
0x43: {  	_ =	shalt  }
0x44: {  	_ =	shalt  }
0x45: {  	_ =	shalt  }
0x46: {  	_ =	shalt  }
0x47: {  	_ =	shalt  }
0x48: {  	_ =	shalt  }
0x49: {  	_ =	shalt  }
0x4a: {  	_ =	shalt  }
0x4b: {  	_ =	shalt  }
0x4c: {  	_ =	shalt  }
0x4d: {  	_ =	shalt  }
0x4e: {  	_ =	shalt  }
0x4f: {  	_ =	shalt  }
0x50: {  	_ =	shalt  }
0x51: {  	_ =	shalt  }
0x52: {  	_ =	shalt  }
0x53: {  	_ =	shalt  }
0x54: {  	_ =	shalt  }
0x55: {  	_ =	shalt  }
0x56: {  	_ =	shalt  }
0x57: {  	_ =	shalt  }
0x58: {  	_ =	shalt  }
0x59: {  	_ =	shalt  }
0x5a: {  	_ =	shalt  }
0x5b: {  	_ =	shalt  }
0x5c: {  	_ =	shalt  }
0x5d: {  	_ =	shalt  }
0x5e: {  	_ =	shalt  }
0x5f: {  	_ =	shalt  }
0x60: {  	_ =	shalt  }
0x61: {  	_ =	shalt  }
0x62: {  	_ =	shalt  }
0x63: {  	_ =	shalt  }
0x64: {  	_ =	shalt  }
0x65: {  	_ =	shalt  }
0x66: {  	_ =	shalt  }
0x67: {  	_ =	shalt  }
0x68: {  	_ =	shalt  }
0x69: {  	_ =	shalt  }
0x6a: {  	_ =	shalt  }
0x6b: {  	_ =	shalt  }
0x6c: {  	_ =	shalt  }
0x6d: {  	_ =	shalt  }
0x6e: {  	_ =	shalt  }
0x6f: {  	_ =	shalt  }
0x70: {  	_ =	shalt  }
0x71: {  	_ =	shalt  }
0x72: {  	_ =	shalt  }
0x73: {  	_ =	shalt  }
0x74: {  	_ =	shalt  }
0x75: {  	_ =	shalt  }
0x76: {  	_ =	shalt  }
0x77: {  	_ =	shalt  }
0x78: {  	_ =	shalt  }
0x79: {  	_ =	shalt  }
0x7a: {  	_ =	shalt  }
0x7b: {  	_ =	shalt  }
0x7c: {  	_ =	shalt  }
0x7d: {  	_ =	shalt  }
0x7e: {  	_ =	shalt  }
0x7f: {  	_ =	shalt  }
0x80: {  	_ =	shalt  }
0x81: {  	_ =	shalt  }
0x82: {  	_ =	shalt  }
0x83: {  	_ =	shalt  }
0x84: {  	_ =	shalt  }
0x85: {  	_ =	shalt  }
0x86: {  	_ =	shalt  }
0x87: {  	_ =	shalt  }
.Lfunc_end0:
.L_simem_size_0:
called_computation_lowered:
.L_overlay_start_0:
0x88: {  	s2 =	sld [smem:$0x3FD9]  }
0x89: {  	s3 =	sld [smem:$0x3FFE];
	_ =	sdelay $0x1  }
0x8a: {  	s1 =	srdreg.scid  }
0x8b: {  	s0 =	sand.u32 $0x1, s1  }
0x8c: {  	s17 =	sshll.u32 s0, $0xA;
	s2 =	sadd.s32 s3, s2  }
0x8d: {  	s2 =	sadd.s32 s2, s17  }
0x8e: {  	[smem:$0x3FBE] =	sst s2  }
0x8f: {  	_ = 	snop  }
0x90: {  	s2 =	sld [smem:$0x3FC9]  }
0x91: {  	s18 =	sld [smem:$0x3FC8];
	(tm) =	ssettm $0x1  }
0x92: {  	s4 =	sld [smem:$0x3FFB];
	_ =	sdelay $0x3  }
0x93: {  	_ =	strace s4  }
0x94: {  	s4 =	sld [smem:$0x3FFC];
	_ =	sdelay $0x3  }
0x95: {  	_ =	strace s4  }
0x96: {  	s4 =	sld [smem:$0x3FFD];
	_ =	sdelay $0x3  }
0x97: {  	_ =	strace s4  }
0x98: {  	_ =	strace $0x8FFFFFFF  }
0x99: {  	s19 =	sld [smem:$0x3FDB];
	_ =	sdelay $0x1  }
0x9a: {  	s5 =	simm.s32 $_scs_section_size  }
0x9b: {  	s6 =	simm.s32 $_size__tile_overlayer_lowered;
	s7 =	simm.s32 $_tile_overlayer_lowered  }
0x9c: {  	s22 =	simm.s32 $0x1BFF;
	s21 =	sshll.u32 s7, $0x1;
	s4 =	sadd.s32 s5, s19  }
0x9d: {  	s8 =	simm.s32 $0x0;
	s20 =	sshll.u32 s6, $0x1;
	s6 =	sadd.s32 s21, s4  }
0x9e: {  	[timem:s8], [sflag:s22] =	dma.local [hbm:s6], s20  }
0x9f: {  	_ =	swait.ge [sflag:s22], s20  }
0xa0: {  	s5 =	ssub.s32 $0x0, s20;
	[sflag:s22] =	ssyncset.done $0x0  }
0xa1: {  	[sflag:s22] =	ssyncadd.s32 s5;
	_ =	sdelay $0x1  }
0xa2: {  	s23 =	simm.s32 $0x1B8B  }
0xa3: {  	_ =	swait.ge [sflag:s23], $0x1  }
0xa4: {  	[sflag:s23] =	ssyncset.done $0x0  }
0xa5: {  	s25 =	simm.s32 $0x1B8E;
	s24 =	sld [smem:$0x3FFE];
	[sflag:s23] =	ssyncadd.s32 $0xFFFFFFFF  }
0xa6: {  	s26 =	simm.s32 $execute0_lowered;
	[smem:$0x3FD2] =	sst s25  }
0xa7: {  	s6 =	sshll.u32 s26, $0x1;
	_ =	strace $0x80000046;
	[dreg:$0x1] =	wrdreg $0xFFFFFFFF  }
0xa8: {  	s28 =	simm.s32 $_size_execute0_lowered;
	s4 =	sadd.s32 s4, s6;
	[dreg:$0x0] =	wrdreg $0x0  }
0xa9: {  	s6 =	sshll.u32 s28, $0x1;
	[dreg:$0x2] =	wrdreg s4  }
0xaa: {  	[dreg:$0x3] =	wrdreg s6  }
0xab: {  	[dreg:$0x4] =	wrdreg $0xC0  }
0xac: {  	_ =	task [dreg:s8], $0x5FFFF  }
0xad: {  	[dreg:$0x1] =	wrdreg $0xFFFFFFFF  }
0xae: {  	[dreg:$0x0] =	wrdreg $0x60  }
0xaf: {  	[dreg:$0x2] =	wrdreg s2  }
0xb0: {  	[dreg:$0x3] =	wrdreg s18  }
0xb1: {  	[dreg:$0x4] =	wrdreg s24  }
0xb2: {  	[dreg:$0x5] =	wrdreg $0x9  }
0xb3: {  	_ =	task.clear_ibuf [dreg:s8], $0x6FFFF;
	_ =	strace $0x90000046  }
0xb4: {  	s29 =	simm.s32 $0x9;
	_ =	strace $0x80000048  }
0xb5: {  	_ =	swait.ge [sflag:s29], $0x1  }
0xb6: {  	[sflag:s29] =	ssyncadd.s32 $0xFFFFFFFF  }
0xb7: {  	_ =	strace $0x90000048  }
0xb8: {  	_ =	sfence  }
0xb9: {  	s30 =	sld [smem:$0x0];
	_ =	sdelay $0x2  }
0xba: {  	s31 =	sshll.u32 s1, $0xD;
	s1 =	sshrl.u32 s1, $0x2  }
0xbb: {  	s3 =	sand.u32 $0x4000, s31;
	s1 =	sadd.s32 s1, s30  }
0xbc: {  	s0 =	sor.u32 s3, s0;
	s1 =	sshll.u32 s1, $0x11  }
0xbd: {  	s0 =	sor.u32 s1, s0  }
0xbe: {  	s0 =	sadd.s32 $0x8F2B, s0  }
0xbf: {  	[sflag:s0] =	ssyncadd.remote.s32 $0x1  }
0xc0: {  	_ =	sfence.sel $0xFFFF  }
0xc1: {  	[dreg:$0x0] =	wrdreg $0xFFFFFFFF;
	(pc) =	sbr.abs _section_cstart, $3  }
0xc2: {  	[dreg:$0x1] =	wrdreg $0xFFFFFFFF  }
0xc3: {  	_ =	task.clear_ibuf [dreg:s8], $0x2FFFF;
	_ =	strace $0x9FFFFFFF  }
0xc4: {  	(tm) =	ssettm $0x7FFFFFFF  }
0xc5: {  	_ =	shalt  }
tec
execute0_lowered:
.L_overlay_start_1:
0x0: {  	(tag) =	ssettag $0x1  }
0x1: {  	s3 =	rddreg [dreg:$0x0]  }
0x2: {  	s4 =	rddreg [dreg:$0x1]  }
0x3: {  	s1 =	srdreg.scid;
	s0 =	stileid.u32  }
0x4: {  	s5 =	rddreg [dreg:$0x2];
	s2 =	simm.s32 $0x0;
	s10 =	simm.s32 $0xD00  }
0x5: {  	s11 =	simm.s32 $0x3;
	s6 =	sand.u32 $0x1, s1;
	s7 =	sshll.u32 s0, $0x1  }
0x6: {  	s12 =	simm.s32 $0x0;
	s1 =	rddreg [dreg:$0x3];
	s7 =	sor.u32 s6, s7  }
0x7: {  	[smem:$0x7FF] =	sst s2;
	s6 =	ssub.s32 $0x2, s6;
	s8 =	smul.u32 $0xC4, s7  }
.Ltmp0:
0x8: {  	p0 =	seq.s32 s7, $0x1F;
	s7 =	sshll.u32 s7, $0xC;
	(pc) =	sbr.rel .LBB2_1-.Ltmp0, $4  }
0x9: {  	_ =	strace $0x80000047;
	s9 =	sshrl.u32 s6, $0x1;
	s5 =	sadd.s32 s7, s5  }
0xa: {  	s6 =	ssub.s32 s6, s9;
	s7 =	simm.s32 $0x680;
	s9 =	simm.s32 $0x2  }
0xb: {  	s8 =	simm.s32 @p0 $0x17A6;
	s5 =	sadd.s32 $0x1800, s5;
	s6 =	smax.u32 s6, $0x1  }
0xc: {  	v0 =	vimm.f32 $0.0e+00;
	v1 =	vimm.f32 $1.000000000e+00;
	s3 =	sadd.s32 s3, s8;
	s4 =	sadd.s32 s4, s8;
	s8 =	simm.s32 $0x1  }
.LBB2_10:
0xd: {  	s12 =	sadd.s32 $0x1, s12  }
0xe: {  	p1 =	sne.s32 s12, s6  }
.Ltmp1:
0xf: {  	_ = 	snop;
	(pc) =	sbr.rel @!p1 .LBB2_11-.Ltmp1, $4  }
0x10: {  	[hbm4b:s5+s2] =	stream.linear.scatter [tilespmem:s10], [sflag:$0x3], $0x8000, $0x38;
	[tilespmem:$0x8D00] =	vst v63  }
0x11: {  	_ =	swait.ge [sflag:s11], $0x8000  }
0x12: {  	[sflag:s11] =	ssyncset.done $0x0  }
0x13: {  	[sflag:s11] =	ssyncadd.s32 $0xFFFF8000  }
.LBB2_1:
0x14: {  	[tilespmem:s2], [sflag:$0x1] =	stream.linear.gather [hbm4b:s3+s2], $0x620, $0x38;
	[tilespmem:$0x8D00] =	vst v63  }
0x15: {  	s13 =	simm.s32 $0xD40  }
0x16: {  	[tilespmem:s7], [sflag:$0x2] =	stream.linear.gather [hbm4b:s4+s2], $0x620, $0x38;
	[tilespmem:$0x8D00] =	vst v63  }
0x17: {  	[tilespmem:s13+$0xFFFFFFC0] =	vst v0  }
0x18: {  	[tilespmem:s13+$0x30] =	vst v0  }
0x19: {  	[tilespmem:s13+$0x20] =	vst v0  }
0x1a: {  	[tilespmem:s13+$0x10] =	vst v0  }
0x1b: {  	[tilespmem:s13+$0x0] =	vst v0  }
0x1c: {  	[tilespmem:s13+$0xFFFFFFF0] =	vst v0  }
0x1d: {  	s14 =	simm.s32 $0x0;
	[tilespmem:s13+$0xFFFFFFE0] =	vst v0  }
.LBB2_2:
0x1e: {  	s14 =	sadd.s32 $0x8, s14;
	[tilespmem:s13+$0xFFFFFFD0] =	vst v0;
	s13 =	sadd.s32 $0x80, s13  }
0x1f: {  	[tilespmem:s13+$0xFFFFFFC0] =	vst v0;
	p1 =	slt.u32 s14, $0x7F8  }
0x20: {  	[tilespmem:s13+$0x30] =	vst v0  }
.Ltmp2:
0x21: {  	[tilespmem:s13+$0x20] =	vst v0;
	(pc) =	sbr.rel @p1 .LBB2_2-.Ltmp2, $4  }
0x22: {  	[tilespmem:s13+$0x10] =	vst v0  }
0x23: {  	[tilespmem:s13+$0x0] =	vst v0  }
0x24: {  	[tilespmem:s13+$0xFFFFFFF0] =	vst v0  }
0x25: {  	[tilespmem:s13+$0xFFFFFFE0] =	vst v0  }
0x26: {  	[tilespmem:s13+$0xFFFFFFD0] =	vst v0  }
0x27: {  	_ =	swait.ge [sflag:s8], $0x620  }
0x28: {  	[sflag:s8] =	ssyncset.done $0x0  }
0x29: {  	[sflag:s8] =	ssyncadd.s32 $0xFFFFF9E0  }
0x2a: {  	_ =	swait.ge [sflag:s9], $0x620  }
0x2b: {  	[sflag:s9] =	ssyncset.done $0x0  }
0x2c: {  	s15 =	simm.s32 $0xE0;
	[sflag:s9] =	ssyncadd.s32 $0xFFFFF9E0  }
0x2d: {  	s13 =	simm.s32 $0x760;
	v3 =	vld [tilespmem:s15+$0x0]  }
0x2e: {  	v2 =	vld [tilespmem:s13+$0x0]  }
0x2f: {  	v4 =	vld [tilespmem:s13+$0xFFFFFFD0]  }
0x30: {  	v5 =	vld [tilespmem:s15+$0xFFFFFFE0];
	_ =	sdelay $0x1  }
0x31: {  	v7 =	vld [tilespmem:s13+$0xFFFFFFE0]  }
0x32: {  	v10 =	vld [tilespmem:s15+$0xFFFFFFF0];
	v6 =	vand.u32 $0xFFFFFF80, v3  }
0x33: {  	v8 =	vshll.u32 v2, $0x7;
	v2 =	vshll.u32 v4, $0x7;
	v3 =	vand.u32 $0x7F, v3;
	v4 =	vld [tilespmem:s13+$0xFFFFFFF0]  }
0x34: {  	v9 =	vand.u32 $0xFFFFFF80, v5;
	v8 =	vadd.s32 v6, v8;
	v6 =	vand.u32 $0x7F, v5;
	v5 =	vld [tilespmem:s15+$0xFFFFFFD0]  }
0x35: {  	v3 =	vor.u32 v3, v8  }
0x36: {  	v7 =	vshll.u32 v7, $0x7  }
0x37: {  	s14 =	simm.s32 $0xB;
	v9 =	vadd.s32 v9, v7;
	v7 =	vand.u32 $0x7F, v10;
	s15 =	simm.s32 $0x120;
	v8 =	vand.u32 $0xFFFFFF80, v10  }
.LBB2_4:
0x38: {  	v10 =	vld [tilespmem:s15+$0x0];
	v9 =	vor.u32 v6, v9;
	v4 =	vshll.u32 v4, $0x7;
	s13 =	sadd.s32 $0x40, s13  }
0x39: {  	v6 =	vld [tilespmem:s13+$0x0];
	v11 =	vand.u32 $0xFFFFFF80, v5;
	v5 =	vand.u32 $0x7F, v5;
	v4 =	vadd.s32 v8, v4  }
0x3a: {  	s14 =	sadd.s32 $0x4, s14;
	v2 =	vadd.s32 v11, v2;
	v11 =	vor.u32 v7, v4;
	[tilespmem:v3+s10+$0x0] =	vst.idx.add.f32.msk $0xffff, v1  }
0x3b: {  	p1 =	slt.u32 s14, $0x5B;
	v3 =	vld [tilespmem:s13+$0xFFFFFFD0];
	v7 =	vor.u32 v5, v2  }
0x3c: {  	v8 =	vld [tilespmem:s15+$0xFFFFFFE0]  }
0x3d: {  	v12 =	vld [tilespmem:s13+$0xFFFFFFE0]  }
0x3e: {  	v13 =	vld [tilespmem:s15+$0xFFFFFFF0]  }
.Ltmp3:
0x3f: {  	v14 =	vand.u32 $0xFFFFFF80, v10;
	v6 =	vshll.u32 v6, $0x7;
	v4 =	vld [tilespmem:s13+$0xFFFFFFF0];
	(pc) =	sbr.rel @p1 .LBB2_4-.Ltmp3, $4  }
0x40: {  	v5 =	vld [tilespmem:s15+$0xFFFFFFD0];
	v2 =	vshll.u32 v3, $0x7;
	v3 =	vand.u32 $0x7F, v10;
	v10 =	vadd.s32 v14, v6  }
0x41: {  	v14 =	vand.u32 $0xFFFFFF80, v8;
	v6 =	vand.u32 $0x7F, v8;
	v3 =	vor.u32 v3, v10;
	[tilespmem:v7+s10+$0x0] =	vst.idx.add.f32.msk $0xffff, v1  }
0x42: {  	v7 =	vshll.u32 v12, $0x7;
	[tilespmem:v9+s10+$0x0] =	vst.idx.add.f32.msk $0xffff, v1  }
0x43: {  	s15 =	sadd.s32 $0x40, s15;
	v9 =	vadd.s32 v14, v7;
	v8 =	vand.u32 $0xFFFFFF80, v13;
	v7 =	vand.u32 $0x7F, v13;
	[tilespmem:v11+s10+$0x0] =	vst.idx.add.f32.msk $0xffff, v1  }
0x44: {  	v4 =	vshll.u32 v4, $0x7  }
0x45: {  	v63 =	vor.u32 v6, v9;
	v10 =	vand.u32 $0xFFFFFF80, v5;
	v4 =	vadd.s32 v8, v4  }
0x46: {  	v62 =	vand.u32 $0x7F, v5;
	v2 =	vadd.s32 v10, v2;
	v4 =	vor.u32 v7, v4  }
0x47: {  	v2 =	vor.u32 v62, v2;
	_ =	sdelay $0x1  }
0x48: {  	[tilespmem:v3+s10+$0x0] =	vst.idx.add.f32.msk $0xffff, v1  }
0x49: {  	[tilespmem:v63+s10+$0x0] =	vst.idx.add.f32.msk $0xffff, v1  }
0x4a: {  	[tilespmem:v4+s10+$0x0] =	vst.idx.add.f32.msk $0xffff, v1  }
0x4b: {  	s13 =	simm.s32 $0x0;
	[tilespmem:v2+s10+$0x0] =	vst.idx.add.f32.msk $0xffff, v1  }
.LBB2_6:
0x4c: {  	s14 =	sshra.s32 s13, $0x2  }
0x4d: {  	v2 =	vld [tilespmem:s14+$0x5F0]  }
0x4e: {  	v3 =	vld [tilespmem:s14+$0xC70];
	_ =	sdelay $0x4  }
0x4f: {  	v4 =	vand.u32 $0xFFFFFF80, v2;
	v3 =	vshll.u32 v3, $0x7  }
0x50: {  	v2 =	vand.u32 $0x7F, v2;
	v3 =	vadd.s32 v4, v3  }
0x51: {  	p1 =	sne.s32 s13, $0x80;
	v2 =	vor.u32 v2, v3  }
.Ltmp4:
0x52: {  	_ = 	snop;
	(pc) =	sbr.rel @p1 .LBB2_6-.Ltmp4, $2  }
0x53: {  	_ =	sdelay $0x2  }
0x54: {  	s13 =	sadd.s32 $0x40, s13;
	[tilespmem:v2+s10+$0x0] =	vst.idx.add.f32.msk $0xffff, v1  }
.Ltmp5:
0x55: {  	(pc) =	sbr.rel @p0 .LBB2_10-.Ltmp5, $2  }
0x56: {  	_ =	sdelay $0x2  }
0x57: {  	s13 =	simm.s32 $0x0;
	p1 =	por $0x1, $0x1;
	s14 =	simm.s32 $0x0  }
.LBB2_8:
0x58: {  	v2 =	vld [tilespmem:s14+$0x0]  }
0x59: {  	v3 =	vld [tilespmem:s14+$0x680]  }
0x5a: {  	v5 =	vld [tilespmem:s14+$0x690]  }
0x5b: {  	v7 =	vld [tilespmem:s14+$0x6A0]  }
0x5c: {  	s15 =	sor.u32 $0x10, s14;
	v10 =	vld [tilespmem:s14+$0x6B0]  }
0x5d: {  	s30 =	sor.u32 $0x20, s14;
	v4 =	vld [tilespmem:s15+$0x0]  }
0x5e: {  	s31 =	sor.u32 $0x30, s14;
	v6 =	vld [tilespmem:s30+$0x0]  }
0x5f: {  	v8 =	vld [tilespmem:s31+$0x0]  }
0x60: {  	v9 =	vand.u32 $0xFFFFFF80, v2  }
0x61: {  	v3 =	vshll.u32 v3, $0x7;
	v5 =	vshll.u32 v5, $0x7;
	v2 =	vand.u32 $0x7F, v2  }
0x62: {  	v59 =	vshll.u32 v7, $0x7;
	v61 =	vshll.u32 v10, $0x7;
	v3 =	vadd.s32 v9, v3  }
0x63: {  	v56 =	vand.u32 $0xFFFFFF80, v4;
	v4 =	vand.u32 $0x7F, v4;
	v57 =	vand.u32 $0xFFFFFF80, v6  }
0x64: {  	v60 =	vand.u32 $0xFFFFFF80, v8;
	v5 =	vadd.s32 v56, v5;
	v2 =	vor.u32 v2, v3  }
0x65: {  	v63 =	vand.u32 $0x7F, v8;
	v62 =	vadd.s32 v60, v61;
	v3 =	vor.u32 v4, v5  }
0x66: {  	v58 =	vand.u32 $0x7F, v6;
	v4 =	vadd.s32 v57, v59;
	v5 =	vor.u32 v63, v62  }
0x67: {  	p2 =	por p1, p1;
	v4 =	vor.u32 v58, v4  }
.Ltmp6:
0x68: {  	_ = 	snop;
	(pc) =	sbr.rel @p2 .LBB2_8-.Ltmp6, $4  }
0x69: {  	[tilespmem:v2+s10+$0x0] =	vst.idx.add.f32.msk $0xffff, v1  }
0x6a: {  	[tilespmem:v3+s10+$0x0] =	vst.idx.add.f32.msk $0xffff, v1  }
0x6b: {  	[tilespmem:v5+s10+$0x0] =	vst.idx.add.f32.msk $0xffff, v1  }
0x6c: {  	s14 =	simm.s32 $0x40;
	p1 =	por $0x0, $0x0;
	[tilespmem:v4+s10+$0x0] =	vst.idx.add.f32.msk $0xffff, v1  }
.LBB2_9:
0x6d: {  	s14 =	sshra.s32 s13, $0x2  }
0x6e: {  	v2 =	vld [tilespmem:s14+$0x80]  }
0x6f: {  	v3 =	vld [tilespmem:s14+$0x700];
	_ =	sdelay $0x4  }
0x70: {  	v4 =	vand.u32 $0xFFFFFF80, v2;
	v3 =	vshll.u32 v3, $0x7  }
0x71: {  	v2 =	vand.u32 $0x7F, v2;
	v3 =	vadd.s32 v4, v3  }
0x72: {  	p1 =	sne.s32 s13, $0x80;
	v2 =	vor.u32 v2, v3  }
.Ltmp7:
0x73: {  	_ = 	snop;
	(pc) =	sbr.rel @p1 .LBB2_9-.Ltmp7, $2  }
0x74: {  	_ =	sdelay $0x2  }
0x75: {  	s13 =	sadd.s32 $0x40, s13;
	[tilespmem:v2+s10+$0x0] =	vst.idx.add.f32.msk $0xffff, v1  }
.Ltmp8:
0x76: {  	_ = 	snop;
	(pc) =	sbr.rel .LBB2_10-.Ltmp8, $1  }
0x77: {  	_ =	sdelay $0x3  }
.LBB2_11:
0x78: {  	_ =	sfence.sel $0x180000  }
0x79: {  	[bflag:$0x0] =	sbarrier.arrive $0xFFFF  }
0x7a: {  	p0 =	sne.s32 s0, $0x0;
	_ =	strace $0x90000047  }
0x7b: {  	s0 =	sadd.s32 @!p0 $0x100000, s1;
	[bflag:$0x2] =	sbarrier.arrive $0xFFFF  }
0x7c: {  	[sflag:s0] =	ssyncadd.tile.s32 @!p0 $0x1;
	_ =	shalt  }
.Lfunc_end2:
_tile_overlayer_lowered:
.L_overlay_start_2:
0x7d: {  	(tag) =	ssettag $0x2  }
0x7e: {  	s0 =	rddreg [dreg:$0x0];
	s2 =	stileid.u32  }
0x7f: {  	s1 =	rddreg [dreg:$0x1];
	p0 =	sne.s32 s2, $0x0  }
0x80: {  	s3 =	rddreg [dreg:$0x2];
	[bflag:$0x3] =	sbarrier.arrive $0xFFFF;
	s2 =	simm.s32 @!p0 $0x1C03  }
0x81: {  	[timem:s3], [sflag:s2] =	dma.local @!p0 [hbm:s0], s1  }
0x82: {  	s0 =	simm.s32 @!p0 $0x3  }
0x83: {  	_ =	swait.ge @!p0 [sflag:s0], s1  }
0x84: {  	s1 =	ssub.s32 @!p0 $0x0, s1;
	[sflag:s0] =	ssyncset.done @!p0 $0x0  }
0x85: {  	[sflag:s0] =	ssyncadd.s32 @!p0 s1  }
0x86: {  	[bflag:$0x3] =	sbarrier.arrive $0xFFFF  }
0x87: {  	_ =	shalt  }

</sc_bundles>
